<compile_context>
chip_gen: v7x
topology: tpu7x:2x2x1
jax: 0.10.2.dev20260603
libtpu: 0.0.44.dev20260713+nightly
codegen_flags: <defaults>
</compile_context>

<pallas_src>
import jax
import jax.numpy as jnp
from jax import lax
from jax.experimental import pallas as pl
from jax.experimental.pallas import tpu as pltpu
from jax.experimental.pallas import tpu_sc as plsc

_SMOOTHING = 0.1
_L = 16


def kernel(target, pred):
    b, k = pred.shape
    low = _SMOOTHING / k
    hi = low + (1.0 - _SMOOTHING)

    mesh = plsc.VectorSubcoreMesh(core_axis_name="c", subcore_axis_name="s")
    nw = mesh.num_cores * mesh.num_subcores
    rpw = b // nw

    def body(target_hbm, out_hbm, buf, tgt_v, sem):
        wid = lax.axis_index("s") * mesh.num_cores + lax.axis_index("c")
        base = wid * rpw
        pltpu.sync_copy(target_hbm.at[pl.ds(base, rpw)], tgt_v)

        low_v = jnp.full((_L,), low, jnp.float32)
        hi_v = jnp.full((_L,), hi, jnp.float32)
        lane_ids = jnp.arange(_L, dtype=jnp.int32)

        def fill(i, carry):
            buf[pl.ds(i * _L, _L)] = low_v
            return carry

        lax.fori_loop(0, k // _L, fill, 0)

        def per_row(i, carry):
            tv = tgt_v[pl.ds((i // _L) * _L, _L)]
            mask = lane_ids == (i % _L)
            plsc.store_scatter(buf, [tv], hi_v, mask=mask)
            cp = pltpu.make_async_copy(buf, out_hbm.at[base + i], sem)
            cp.start()
            cp.wait()
            plsc.store_scatter(buf, [tv], low_v, mask=mask)
            return carry

        lax.fori_loop(0, rpw, per_row, 0)

    f = pl.kernel(
        body,
        out_type=jax.ShapeDtypeStruct((b, k), jnp.float32),
        mesh=mesh,
        scratch_types=[
            pltpu.VMEM((k,), jnp.float32),
            pltpu.VMEM((rpw,), jnp.int32),
            pltpu.SemaphoreType.DMA,
        ],
        compiler_params=pltpu.CompilerParams(needs_layout_passes=False),
    )
    return f(target)

# --- scband reference (transcript-rebuilt; emitter-appended) ---
"""Pipeline reference for scband-label-smoothing-42984032699179 (READ-ONLY COPY).

The authoritative reference and input builder live on the scoring server;
editing this copy changes nothing except your own understanding.
"""

import jax, jax.numpy as jnp
import numpy as np

NUM_CLASSES = 100000
SMOOTHING = 0.1
BATCH = 1024


def setup_inputs(seed: int = 0) -> dict:
    key = jax.random.key(seed)
    k1, k2 = jax.random.split(key)
    target = jax.random.randint(k1, (BATCH,), 0, NUM_CLASSES, dtype=jnp.int64 if jax.config.jax_enable_x64 else jnp.int32).astype(jnp.int32)
    pred = jax.random.normal(k2, (BATCH, NUM_CLASSES), dtype=jnp.float32)
    return {"target": target, "pred": pred}


def reference(target, pred):
    # Faithful translation of LabelSmoothing.forward:
    # q = full(pred.shape, smoothing/k); q[i, target[i]] += (1 - smoothing)
    confidence = 1.0 - SMOOTHING
    q = jnp.full(pred.shape, SMOOTHING / NUM_CLASSES, dtype=pred.dtype)
    rows = jnp.arange(pred.shape[0])
    q = q.at[rows, target].add(confidence)
    return q

if __name__ == "__main__":
    import jax
    _d = setup_inputs()
    print(jax.jit(kernel)(*tuple(_d.values())))

</pallas_src>

<mosaic_0001>
#map = affine_map<(d0, d1) -> (0)>
#map1 = affine_map<(d0, d1) -> (0, 0)>
module attributes {stable_mosaic.version = 14 : i64} {
  func.func @body(%arg0: i32, %arg1: i32, %arg2: memref<1024xi32, #tpu.memory_space<hbm>>, %arg3: memref<1024x100000xf32, #tpu.memory_space<hbm>>, %arg4: memref<100000xf32, #tpu.memory_space<vmem>>, %arg5: memref<32xi32, #tpu.memory_space<vmem>>, %arg6: memref<!tpu.dma_semaphore, #tpu.memory_space<semaphore_mem>>) attributes {dimension_semantics = [#tpu.dimension_semantics<core_parallel>, #tpu.dimension_semantics<subcore_parallel>], iteration_bounds = array<i64: 2, 16>, scalar_prefetch = 0 : i64, scratch_operands = 3 : i64, tpu.core_type = #tpu.core_type<sc_vector_subcore>, window_params = [{transform_indices = #map}, {transform_indices = #map1}]} {
    %mul3A = arith.constant 2 : i32
    %mul3A_0 = arith.muli %arg1, %mul3A : i32
    %add3A = arith.addi %mul3A_0, %arg0 : i32
    %mul3A_1 = arith.constant 32 : i32
    %mul3A_2 = arith.muli %add3A, %mul3A_1 : i32
    "tpu.region"() ({
      %run_scoped3A = tpu.sem_alloc : memref<!tpu.dma_semaphore, #tpu.memory_space<semaphore_mem>>
      %dma_start3A = tpu.memref_slice %arg2[%mul3A_2] : memref<1024xi32, #tpu.memory_space<hbm>> -> memref<32xi32, #tpu.memory_space<hbm>>
      %dma_start3A_17 = tpu.memref_slice %arg2[%mul3A_2] : memref<1024xi32, #tpu.memory_space<hbm>> -> memref<32xi32, #tpu.memory_space<hbm>>
      tpu.enqueue_dma source(%dma_start3A_17 : memref<32xi32, #tpu.memory_space<hbm>>) target(%arg5 : memref<32xi32, #tpu.memory_space<vmem>>) target_semaphore(%run_scoped3A : memref<!tpu.dma_semaphore, #tpu.memory_space<semaphore_mem>>)
      %dma_wait3A = tpu.memref_slice %arg2[%mul3A_2] : memref<1024xi32, #tpu.memory_space<hbm>> -> memref<32xi32, #tpu.memory_space<hbm>>
      %dma_wait3A_18 = tpu.memref_slice %arg2[%mul3A_2] : memref<1024xi32, #tpu.memory_space<hbm>> -> memref<32xi32, #tpu.memory_space<hbm>>
      tpu.wait_dma2 semaphore(%run_scoped3A : memref<!tpu.dma_semaphore, #tpu.memory_space<semaphore_mem>>) src(%dma_wait3A_18 : memref<32xi32, #tpu.memory_space<hbm>>) dst(%arg5 : memref<32xi32, #tpu.memory_space<vmem>>)
      tpu.yield
    }) : () -> ()
    %broadcast_in_dim3A = arith.constant 9.99999997E-7 : f32
    %broadcast_in_dim3A_3 = vector.broadcast %broadcast_in_dim3A : f32 to vector<16xf32>
    %broadcast_in_dim3A_4 = arith.constant 0.900000989 : f32
    %broadcast_in_dim3A_5 = vector.broadcast %broadcast_in_dim3A_4 : f32 to vector<16xf32>
    %iota3A = tpu.iota {dimensions = array<i32: 0>} : vector<16xi32>
    %scan3A = arith.constant 0 : i32
    %scan3A_6 = arith.constant 0 : i32
    %scan3A_7 = arith.constant 6250 : i32
    %scan3A_8 = arith.addi %scan3A_6, %scan3A_7 : i32
    %scan3A_9 = arith.constant 1 : i32
    scf.for %scan3A_17 = %scan3A_6 to %scan3A_8 step %scan3A_9  : i32 {
      %mul3A_18 = arith.constant 16 : i32
      %mul3A_19 = arith.muli %scan3A_17, %mul3A_18 : i32
      %swap3A = arith.index_cast %mul3A_19 : i32 to index
      %swap3A_20 = tpu.vector_load %arg4[%swap3A] {strides = array<i32>} : memref<100000xf32, #tpu.memory_space<vmem>>, vector<16xf32>,
      tpu.vector_store %arg4[%swap3A], %broadcast_in_dim3A_3 {strides = array<i32>} : memref<100000xf32, #tpu.memory_space<vmem>>, vector<16xf32>,
    }
    %scan3A_10 = arith.constant 6250 : i32
    %scan3A_11 = arith.constant 0 : i32
    %scan3A_12 = arith.constant 0 : i32
    %scan3A_13 = arith.constant 32 : i32
    %scan3A_14 = arith.addi %scan3A_12, %scan3A_13 : i32
    %scan3A_15 = arith.constant 1 : i32
    scf.for %scan3A_17 = %scan3A_12 to %scan3A_14 step %scan3A_15  : i32 {
      %jit3A = arith.constant 16 : i32
      %div3A = arith.divsi %scan3A_17, %jit3A : i32
      %sign3A = arith.constant 0 : i32
      %sign3A_18 = arith.cmpi sgt, %scan3A_17, %sign3A : i32
      %sign3A_19 = arith.extui %sign3A_18 : i1 to i32
      %sign3A_20 = arith.constant 0 : i32
      %sign3A_21 = arith.cmpi slt, %scan3A_17, %sign3A_20 : i32
      %sign3A_22 = arith.extui %sign3A_21 : i1 to i32
      %sign3A_23 = arith.subi %sign3A_19, %sign3A_22 : i32
      %sign3A_24 = arith.constant 0 : i32
      %sign3A_25 = arith.cmpi sgt, %jit3A, %sign3A_24 : i32
      %sign3A_26 = arith.extui %sign3A_25 : i1 to i32
      %sign3A_27 = arith.constant 0 : i32
      %sign3A_28 = arith.cmpi slt, %jit3A, %sign3A_27 : i32
      %sign3A_29 = arith.extui %sign3A_28 : i1 to i32
      %sign3A_30 = arith.subi %sign3A_26, %sign3A_29 : i32
      %ne3A = arith.cmpi ne, %sign3A_23, %sign3A_30 : i32
      %rem3A = arith.remsi %scan3A_17, %jit3A : i32
      %ne3A_31 = arith.constant 0 : i32
      %ne3A_32 = arith.cmpi ne, %rem3A, %ne3A_31 : i32
      %and3A = arith.andi %ne3A, %ne3A_32 : i1
      %sub3A = arith.constant 1 : i32
      %sub3A_33 = arith.subi %div3A, %sub3A : i32
      %select_n3A = arith.select %and3A, %sub3A_33, %div3A : i32
      %mul3A_34 = arith.constant 16 : i32
      %mul3A_35 = arith.muli %select_n3A, %mul3A_34 : i32
      %get3A = arith.index_cast %mul3A_35 : i32 to index
      %get3A_36 = tpu.vector_load %arg5[%get3A] {strides = array<i32>} : memref<32xi32, #tpu.memory_space<vmem>>, vector<16xi32>,
      %jit3A_37 = arith.constant 16 : i32
      %eq3A = arith.constant 0 : i32
      %eq3A_38 = arith.cmpi eq, %jit3A_37, %eq3A : i32
      %jit3A_39 = arith.constant 1 : i32
      %select_n3A_40 = arith.select %eq3A_38, %jit3A_39, %jit3A_37 : i32
      %rem3A_41 = arith.remsi %scan3A_17, %select_n3A_40 : i32
      %ne3A_42 = arith.constant 0 : i32
      %ne3A_43 = arith.cmpi ne, %rem3A_41, %ne3A_42 : i32
      %lt3A = arith.constant 0 : i32
      %lt3A_44 = arith.cmpi slt, %rem3A_41, %lt3A : i32
      %lt3A_45 = arith.constant 0 : i32
      %lt3A_46 = arith.cmpi slt, %select_n3A_40, %lt3A_45 : i32
      %ne3A_47 = arith.xori %lt3A_44, %lt3A_46 : i1
      %and3A_48 = arith.andi %ne3A_47, %ne3A_43 : i1
      %add3A_49 = arith.addi %rem3A_41, %select_n3A_40 : i32
      %select_n3A_50 = arith.select %and3A_48, %add3A_49, %rem3A_41 : i32
      %eq3A_51 = vector.broadcast %select_n3A_50 : i32 to vector<16xi32>
      %eq3A_52 = arith.cmpi eq, %iota3A, %eq3A_51 : vector<16xi32>
      tpu.vector_store_idx %arg4[%get3A_36], %broadcast_in_dim3A_5 masked %eq3A_52 : memref<100000xf32, #tpu.memory_space<vmem>>[vector<16xi32>], vector<16xf32>, vector<16xi1>
      %add3A_53 = arith.addi %mul3A_2, %scan3A_17 : i32
      %dma_start3A = arith.constant 0 : i32
      %dma_start3A_54 = tpu.memref_slice %arg3[%add3A_53, %dma_start3A] : memref<1024x100000xf32, #tpu.memory_space<hbm>> -> memref<1x100000xf32, #tpu.memory_space<hbm>>
      %dma_start3A_55 = tpu.memref_squeeze %dma_start3A_54 : memref<1x100000xf32, #tpu.memory_space<hbm>> -> memref<100000xf32, #tpu.memory_space<hbm>>
      %dma_start3A_56 = arith.constant 0 : i32
      %dma_start3A_57 = tpu.memref_slice %arg3[%add3A_53, %dma_start3A_56] : memref<1024x100000xf32, #tpu.memory_space<hbm>> -> memref<1x100000xf32, #tpu.memory_space<hbm>>
      %dma_start3A_58 = tpu.memref_squeeze %dma_start3A_57 : memref<1x100000xf32, #tpu.memory_space<hbm>> -> memref<100000xf32, #tpu.memory_space<hbm>>
      tpu.enqueue_dma source(%arg4 : memref<100000xf32, #tpu.memory_space<vmem>>) target(%dma_start3A_58 : memref<100000xf32, #tpu.memory_space<hbm>>) target_semaphore(%arg6 : memref<!tpu.dma_semaphore, #tpu.memory_space<semaphore_mem>>)
      %dma_wait3A = arith.constant 0 : i32
      %dma_wait3A_59 = tpu.memref_slice %arg3[%add3A_53, %dma_wait3A] : memref<1024x100000xf32, #tpu.memory_space<hbm>> -> memref<1x100000xf32, #tpu.memory_space<hbm>>
      %dma_wait3A_60 = tpu.memref_squeeze %dma_wait3A_59 : memref<1x100000xf32, #tpu.memory_space<hbm>> -> memref<100000xf32, #tpu.memory_space<hbm>>
      %dma_wait3A_61 = arith.constant 0 : i32
      %dma_wait3A_62 = tpu.memref_slice %arg3[%add3A_53, %dma_wait3A_61] : memref<1024x100000xf32, #tpu.memory_space<hbm>> -> memref<1x100000xf32, #tpu.memory_space<hbm>>
      %dma_wait3A_63 = tpu.memref_squeeze %dma_wait3A_62 : memref<1x100000xf32, #tpu.memory_space<hbm>> -> memref<100000xf32, #tpu.memory_space<hbm>>
      tpu.wait_dma2 semaphore(%arg6 : memref<!tpu.dma_semaphore, #tpu.memory_space<semaphore_mem>>) src(%arg4 : memref<100000xf32, #tpu.memory_space<vmem>>) dst(%dma_wait3A_63 : memref<100000xf32, #tpu.memory_space<hbm>>)
      tpu.vector_store_idx %arg4[%get3A_36], %broadcast_in_dim3A_3 masked %eq3A_52 : memref<100000xf32, #tpu.memory_space<vmem>>[vector<16xi32>], vector<16xf32>, vector<16xi1>
    }
    %scan3A_16 = arith.constant 32 : i32
    return
  }
}

</mosaic_0001>

<sc_bundles>
// kernel: kernel.3.cloned.1.call-start
scs
__scs_entry_jumppad:
0x0: {  	(pc) =	sbr.rel $0x88, $3  }
0x1: {  	(tag) =	ssettag $0x0;
	lr =	simm.s32 $0x1  }
0x2: {  	[smem:$0x3FA0] =	sst lr;
	_ =	strace $0xD0000000  }
0x3: {  	_ = 	snop  }
0x4: {  	_ = 	snop  }
0x5: {  	_ = 	snop  }
0x6: {  	_ = 	snop  }
0x7: {  	_ = 	snop  }
__scs_overlays_trampoline_lowered:
0x8: {  	[smem:$0x3FAF] =	sst s0  }
0x9: {  	[smem:$0x3FB0] =	sst s1  }
0xa: {  	[smem:$0x3FB1] =	sst s2  }
0xb: {  	[smem:$0x3FB2] =	sst s3  }
0xc: {  	[smem:$0x3FB3] =	sst s4  }
0xd: {  	[smem:$0x3FB4] =	sst s5  }
0xe: {  	[smem:$0x3FB5] =	sst s6  }
0xf: {  	[smem:$0x3FB6] =	sst s7  }
0x10: {  	[smem:$0x3FB7] =	sst s8  }
0x11: {  	[smem:$0x3FB8] =	sst s9;
	s0 =	simm.s32 @!p0 $0x0  }
0x12: {  	s1 =	sld [smem:$0x3F9E];
	s0 =	simm.s32 @p0 $0x1  }
0x13: {  	[smem:$0x3FB9] =	sst s0;
	s0 =	simm.s32 @!p1 $0x0  }
0x14: {  	s2 =	sld [smem:$0x3F9D];
	s0 =	simm.s32 @p1 $0x1  }
0x15: {  	[smem:$0x3FBA] =	sst s0;
	s0 =	simm.s32 @!p2 $0x0  }
0x16: {  	s3 =	sld [smem:$0x3FDB];
	s0 =	simm.s32 @p2 $0x1  }
0x17: {  	s4 =	simm.s32 $0x1BF5;
	[smem:$0x3FBC] =	sst s0  }
0x18: {  	s0 =	sld [smem:$0x3F9F];
	_ =	swait.ge [sflag:s4], $0x0  }
0x19: {  	s7 =	sld [smem:$0x3FA0]  }
0x1a: {  	s8 =	sadd.s32 $0xFFFFE003, lr  }
0x1b: {  	s9 =	sadd.s32 $0xFFFFFEF7, lr;
	s5 =	simm.s32 $0xFFFFFFFF;
	p2 =	slt.u32 s8, $0xFFFFF086  }
0x1c: {  	p1 =	slt.u32 s9, $0xF7A;
	s5 =	simm.s32 @!p2 $0x0  }
0x1d: {  	s5 =	simm.s32 @p1 $0x1;
	p0 =	seq.s32 s7, s2  }
0x1e: {  	s7 =	smul.u32 @!p0 $0xF7A, s2;
	p2 =	seq.s32 @!p0 s5, $0x0  }
0x1f: {  	s9 =	smul.u32 $0xF7A, s1;
	s8 =	simm.s32 @!p0 $0x1BF5;
	p2 =	por !p2, p0  }
0x20: {  	[sflag:s8] =	ssyncset.s32 @!p0 $0xFFFFF086;
	s6 =	sadd.s32 @!p0 s3, s7;
	s7 =	simm.s32 @!p0 $0x108  }
0x21: {  	s3 =	sadd.s32 s3, s9;
	s6 =	sadd.s32 @!p0 $0x88, s6;
	s7 =	simm.s32 @p2 $0x1082  }
0x22: {  	[simem:s7], [sflag:s8] =	dma.local @!p0 [hbm:s6], $0xF7A  }
0x23: {  	s9 =	sor.u32 $0xD0000000, s2;
	s6 =	simm.s32 $0x108;
	_ =	swait.ge @!p0 [sflag:s8], $0x0  }
0x24: {  	s3 =	sadd.s32 $0x88, s3;
	s6 =	simm.s32 @!p1 $0x1082;
	[sflag:s4] =	ssyncset.s32 $0xFFFFF086  }
0x25: {  	[simem:s6], [sflag:s4] =	dma.local [hbm:s3], $0xF7A  }
0x26: {  	[smem:$0x3FA0] =	sst s1;
	(tag) =	ssettag s2;
	_ =	strace s9  }
0x27: {  	s1 =	sld [smem:$0x3FB0]  }
0x28: {  	s2 =	sld [smem:$0x3FB1]  }
0x29: {  	s4 =	sld [smem:$0x3FB3]  }
0x2a: {  	p0 =	seq.s32 s5, $0x0;
	s5 =	sld [smem:$0x3FB4]  }
0x2b: {  	s6 =	sld [smem:$0x3FB5]  }
0x2c: {  	s7 =	sld [smem:$0x3FB6]  }
0x2d: {  	s3 =	simm.s32 $0x108;
	s8 =	sld [smem:$0x3FB7]  }
0x2e: {  	s3 =	simm.s32 @!p0 $0x1082;
	s9 =	sld [smem:$0x3FB8]  }
0x2f: {  	lr =	sadd.s32 s0, s3;
	s0 =	sld [smem:$0x3FAF]  }
0x30: {  	s3 =	sld [smem:$0x3FB2]  }
0x31: {  	[smem:$0x3FBB] =	sst s10  }
0x32: {  	s10 =	sld [smem:$0x3FB9];
	_ =	sdelay $0x3  }
0x33: {  	p0 =	seq.s32 s10, $0x1;
	s10 =	sld [smem:$0x3FBB];
	_ =	sdelay $0x3  }
0x34: {  	[smem:$0x3FBB] =	sst s10  }
0x35: {  	s10 =	sld [smem:$0x3FBA];
	_ =	sdelay $0x3  }
0x36: {  	p1 =	seq.s32 s10, $0x1;
	s10 =	sld [smem:$0x3FBB];
	_ =	sdelay $0x3  }
0x37: {  	[smem:$0x3FBB] =	sst s10  }
0x38: {  	s10 =	sld [smem:$0x3FBC]  }
0x39: {  	_ = 	snop;
	(pc) =	sbr.ind lr, $3  }
0x3a: {  	_ = 	snop  }
0x3b: {  	_ = 	snop  }
0x3c: {  	p2 =	seq.s32 s10, $0x1;
	s10 =	sld [smem:$0x3FBB]  }
0x3d: {  	_ =	shalt  }
0x3e: {  	_ =	shalt  }
0x3f: {  	_ =	shalt  }
0x40: {  	_ =	shalt  }
0x41: {  	_ =	shalt  }
0x42: {  	_ =	shalt  }
0x43: {  	_ =	shalt  }
0x44: {  	_ =	shalt  }
0x45: {  	_ =	shalt  }
0x46: {  	_ =	shalt  }
0x47: {  	_ =	shalt  }
0x48: {  	_ =	shalt  }
0x49: {  	_ =	shalt  }
0x4a: {  	_ =	shalt  }
0x4b: {  	_ =	shalt  }
0x4c: {  	_ =	shalt  }
0x4d: {  	_ =	shalt  }
0x4e: {  	_ =	shalt  }
0x4f: {  	_ =	shalt  }
0x50: {  	_ =	shalt  }
0x51: {  	_ =	shalt  }
0x52: {  	_ =	shalt  }
0x53: {  	_ =	shalt  }
0x54: {  	_ =	shalt  }
0x55: {  	_ =	shalt  }
0x56: {  	_ =	shalt  }
0x57: {  	_ =	shalt  }
0x58: {  	_ =	shalt  }
0x59: {  	_ =	shalt  }
0x5a: {  	_ =	shalt  }
0x5b: {  	_ =	shalt  }
0x5c: {  	_ =	shalt  }
0x5d: {  	_ =	shalt  }
0x5e: {  	_ =	shalt  }
0x5f: {  	_ =	shalt  }
0x60: {  	_ =	shalt  }
0x61: {  	_ =	shalt  }
0x62: {  	_ =	shalt  }
0x63: {  	_ =	shalt  }
0x64: {  	_ =	shalt  }
0x65: {  	_ =	shalt  }
0x66: {  	_ =	shalt  }
0x67: {  	_ =	shalt  }
0x68: {  	_ =	shalt  }
0x69: {  	_ =	shalt  }
0x6a: {  	_ =	shalt  }
0x6b: {  	_ =	shalt  }
0x6c: {  	_ =	shalt  }
0x6d: {  	_ =	shalt  }
0x6e: {  	_ =	shalt  }
0x6f: {  	_ =	shalt  }
0x70: {  	_ =	shalt  }
0x71: {  	_ =	shalt  }
0x72: {  	_ =	shalt  }
0x73: {  	_ =	shalt  }
0x74: {  	_ =	shalt  }
0x75: {  	_ =	shalt  }
0x76: {  	_ =	shalt  }
0x77: {  	_ =	shalt  }
0x78: {  	_ =	shalt  }
0x79: {  	_ =	shalt  }
0x7a: {  	_ =	shalt  }
0x7b: {  	_ =	shalt  }
0x7c: {  	_ =	shalt  }
0x7d: {  	_ =	shalt  }
0x7e: {  	_ =	shalt  }
0x7f: {  	_ =	shalt  }
0x80: {  	_ =	shalt  }
0x81: {  	_ =	shalt  }
0x82: {  	_ =	shalt  }
0x83: {  	_ =	shalt  }
0x84: {  	_ =	shalt  }
0x85: {  	_ =	shalt  }
0x86: {  	_ =	shalt  }
0x87: {  	_ =	shalt  }
.Lfunc_end0:
.L_simem_size_0:
called_computation_lowered:
.L_overlay_start_0:
0x88: {  	s2 =	sld [smem:$0x3FD9]  }
0x89: {  	s3 =	sld [smem:$0x3FFE];
	_ =	sdelay $0x1  }
0x8a: {  	s1 =	srdreg.scid  }
0x8b: {  	s0 =	sand.u32 $0x1, s1  }
0x8c: {  	s17 =	sshll.u32 s0, $0xA;
	s2 =	sadd.s32 s3, s2  }
0x8d: {  	s2 =	sadd.s32 s2, s17  }
0x8e: {  	[smem:$0x3FC7] =	sst s2  }
0x8f: {  	_ = 	snop  }
0x90: {  	s2 =	sld [smem:$0x3FC9];
	(tm) =	ssettm $0x1  }
0x91: {  	s18 =	sld [smem:$0x3FFB];
	_ =	sdelay $0x3  }
0x92: {  	_ =	strace s18  }
0x93: {  	s3 =	sld [smem:$0x3FFC];
	_ =	sdelay $0x3  }
0x94: {  	_ =	strace s3  }
0x95: {  	s3 =	sld [smem:$0x3FFD];
	_ =	sdelay $0x3  }
0x96: {  	_ =	strace s3  }
0x97: {  	_ =	strace $0x8FFFFFFF  }
0x98: {  	s19 =	sld [smem:$0x3FDB];
	_ =	sdelay $0x1  }
0x99: {  	s4 =	simm.s32 $_scs_section_size  }
0x9a: {  	s5 =	simm.s32 $_size__tile_overlayer_lowered;
	s6 =	simm.s32 $_tile_overlayer_lowered  }
0x9b: {  	s22 =	simm.s32 $0x1BFF;
	s21 =	sshll.u32 s6, $0x1;
	s3 =	sadd.s32 s4, s19  }
0x9c: {  	s7 =	simm.s32 $0x0;
	s20 =	sshll.u32 s5, $0x1;
	s5 =	sadd.s32 s21, s3  }
0x9d: {  	[timem:s7], [sflag:s22] =	dma.local [hbm:s5], s20  }
0x9e: {  	_ =	swait.ge [sflag:s22], s20  }
0x9f: {  	s4 =	ssub.s32 $0x0, s20;
	[sflag:s22] =	ssyncset.done $0x0  }
0xa0: {  	[sflag:s22] =	ssyncadd.s32 s4;
	_ =	sdelay $0x1  }
0xa1: {  	s23 =	simm.s32 $0x1B8B  }
0xa2: {  	_ =	swait.ge [sflag:s23], $0x1  }
0xa3: {  	[sflag:s23] =	ssyncset.done $0x0  }
0xa4: {  	s25 =	simm.s32 $0x1B8E;
	s24 =	sld [smem:$0x3FFE];
	[sflag:s23] =	ssyncadd.s32 $0xFFFFFFFF  }
0xa5: {  	s26 =	simm.s32 $execute0_lowered;
	[smem:$0x3FD2] =	sst s25  }
0xa6: {  	s5 =	sshll.u32 s26, $0x1;
	_ =	strace $0x80000046;
	[dreg:$0x1] =	wrdreg $0xFFFFFFFF  }
0xa7: {  	s28 =	simm.s32 $_size_execute0_lowered;
	s3 =	sadd.s32 s3, s5;
	[dreg:$0x0] =	wrdreg $0x0  }
0xa8: {  	s5 =	sshll.u32 s28, $0x1;
	[dreg:$0x2] =	wrdreg s3  }
0xa9: {  	[dreg:$0x3] =	wrdreg s5  }
0xaa: {  	[dreg:$0x4] =	wrdreg $0xC0  }
0xab: {  	_ =	task [dreg:s7], $0x5FFFF  }
0xac: {  	[dreg:$0x1] =	wrdreg $0xFFFFFFFF  }
0xad: {  	[dreg:$0x0] =	wrdreg $0x60  }
0xae: {  	[dreg:$0x2] =	wrdreg s2  }
0xaf: {  	[dreg:$0x3] =	wrdreg s24  }
0xb0: {  	[dreg:$0x4] =	wrdreg $0x9  }
0xb1: {  	_ =	task.clear_ibuf [dreg:s7], $0x5FFFF;
	_ =	strace $0x90000046  }
0xb2: {  	s29 =	simm.s32 $0x9;
	_ =	strace $0x80000048  }
0xb3: {  	_ =	swait.ge [sflag:s29], $0x1  }
0xb4: {  	[sflag:s29] =	ssyncadd.s32 $0xFFFFFFFF  }
0xb5: {  	_ =	strace $0x90000048  }
0xb6: {  	_ =	sfence  }
0xb7: {  	s30 =	sld [smem:$0x0];
	_ =	sdelay $0x2  }
0xb8: {  	s31 =	sshll.u32 s1, $0xD;
	s1 =	sshrl.u32 s1, $0x2  }
0xb9: {  	s3 =	sand.u32 $0x4000, s31;
	s1 =	sadd.s32 s1, s30  }
0xba: {  	s0 =	sor.u32 s3, s0;
	s1 =	sshll.u32 s1, $0x11  }
0xbb: {  	s0 =	sor.u32 s1, s0  }
0xbc: {  	s0 =	sadd.s32 $0x8F2B, s0  }
0xbd: {  	[sflag:s0] =	ssyncadd.remote.s32 $0x1  }
0xbe: {  	_ =	sfence.sel $0xFFFF  }
0xbf: {  	[dreg:$0x0] =	wrdreg $0xFFFFFFFF;
	(pc) =	sbr.abs _section_cstart, $3  }
0xc0: {  	[dreg:$0x1] =	wrdreg $0xFFFFFFFF  }
0xc1: {  	_ =	task.clear_ibuf [dreg:s7], $0x2FFFF;
	_ =	strace $0x9FFFFFFF  }
0xc2: {  	(tm) =	ssettm $0x7FFFFFFF  }
0xc3: {  	_ =	shalt  }
tec
execute0_lowered:
.L_overlay_start_1:
0x0: {  	(tag) =	ssettag $0x1  }
0x1: {  	s5 =	rddreg [dreg:$0x0]  }
0x2: {  	s4 =	rddreg [dreg:$0x1]  }
0x3: {  	s0 =	rddreg [dreg:$0x2];
	s3 =	srdreg.scid  }
0x4: {  	s2 =	simm.s32 $0x0;
	s1 =	stileid.u32;
	s9 =	simm.s32 $0x80  }
0x5: {  	s10 =	simm.s32 $0x400;
	s11 =	simm.s32 $0x1;
	s12 =	simm.s32 $0x0  }
0x6: {  	s3 =	sand.u32 $0x1, s3;
	s7 =	sshll.u32 s1, $0x6;
	[smem:$0x7FF] =	sst s2  }
0x7: {  	s4 =	sadd.s32 $0x400, s4;
	s6 =	ssub.s32 $0x2, s3;
	s3 =	sshll.u32 s3, $0x5  }
0x8: {  	_ =	strace $0x80000047;
	s8 =	sshrl.u32 s6, $0x1;
	s3 =	sor.u32 s3, s7  }
0x9: {  	s6 =	ssub.s32 s6, s8;
	s7 =	sshrl.u32 s3, $0x3;
	s8 =	simm.s32 $0x2  }
0xa: {  	v0 =	vimm.f32 $9.999999970e-07;
	v1 =	vlaneseq.u32;
	v2 =	vimm.f32 $9.000009890e-01;
	s5 =	sadd.s32 s5, s7;
	s6 =	smax.u32 s6, $0x1;
	s7 =	simm.s32 $0x18700  }
.LBB2_1:
0xb: {  	[tilespmem:s7], [sflag:$0x2] =	stream.linear.gather [hbm4b:s5+s2], $0x20, $0x38;
	[tilespmem:$0x18780] =	vst v63  }
0xc: {  	_ =	swait.ge [sflag:s8], $0x20  }
0xd: {  	[sflag:s8] =	ssyncset.done $0x0  }
0xe: {  	s13 =	simm.s32 $0x0;
	[sflag:s8] =	ssyncadd.s32 $0xFFFFFFE0  }
.LBB2_2:
0xf: {  	p0 =	sne.s32 s13, $0x61A40  }
.Ltmp0:
0x10: {  	_ = 	snop;
	(pc) =	sbr.rel @p0 .LBB2_2-.Ltmp0, $3  }
0x11: {  	_ =	sdelay $0x1  }
0x12: {  	s14 =	sshra.s32 s13, $0x2  }
0x13: {  	s13 =	sadd.s32 $0x40, s13;
	[tilespmem:s14+$0x0] =	vst v0  }
0x14: {  	s13 =	simm.s32 $0x0  }
0x15: {  	s14 =	sand.u32 $0x40, s13  }
0x16: {  	s14 =	sshrl.u32 s14, $0x2  }
0x17: {  	s15 =	sand.u32 $0xF, s13;
	v3 =	vld [tilespmem:s14+$0x18700]  }
0x18: {  	v4 =	vmov s15  }
0x19: {  	s30 =	sadd.s32 $0x0, s3;
	vm0 =	veq.s32 v4, v1  }
0x1a: {  	s14 =	sshrl.u32 s30, $0x3  }
0x1b: {  	s14 =	smul.u32 $0xC3800, s14  }
0x1c: {  	s31 =	sand.u32 $0x380, s13  }
0x1d: {  	s14 =	sor.u32 s31, s14  }
0x1e: {  	s14 =	sshrl.u32 s14, $0x3  }
0x1f: {  	s14 =	sadd.s32 s4, s14;
	[tilespmem:v3+s2+$0x0] =	vst.idx.msk vm0, v2  }
0x20: {  	[hbm4b:s14+s9] =	stream.strided.scatter [tilespmem:s2], [sflag:$0x1], $0x18700, s10, s9, $0x38;
	[tilespmem:$0x18780] =	vst v63  }
0x21: {  	_ =	swait.ge [sflag:s11], $0x18700  }
0x22: {  	s16 =	simm.s32 $0x2;
	s15 =	simm.s32 $0x4;
	[sflag:s11] =	ssyncset.done $0x0  }
0x23: {  	s17 =	sand.u32 $0x40, s15;
	s14 =	simm.s32 $0x1;
	[sflag:s11] =	ssyncadd.s32 $0xFFFE7900  }
.LBB2_4:
0x24: {  	p0 =	sne.s32 s16, $0x1F;
	s17 =	sshrl.u32 s17, $0x2;
	[tilespmem:v3+s2+$0x0] =	vst.idx.msk vm0, v0;
	s13 =	sadd.s32 $0x80, s13  }
0x25: {  	s18 =	sand.u32 $0xF, s14;
	v3 =	vld [tilespmem:s17+$0x18700];
	s17 =	smov.u32 s16;
	s16 =	sadd.s32 $0x1, s16  }
0x26: {  	v4 =	vmov s18  }
0x27: {  	s18 =	sadd.s32 s14, s3;
	vm0 =	veq.s32 v4, v1;
	s14 =	smov.u32 s17  }
0x28: {  	s17 =	sshrl.u32 s18, $0x3  }
0x29: {  	s17 =	smul.u32 $0xC3800, s17  }
0x2a: {  	s18 =	sand.u32 $0x380, s13  }
0x2b: {  	s17 =	sor.u32 s18, s17  }
0x2c: {  	s17 =	sshrl.u32 s17, $0x3  }
.Ltmp1:
0x2d: {  	s17 =	sadd.s32 s4, s17;
	[tilespmem:v3+s2+$0x0] =	vst.idx.msk vm0, v2;
	(pc) =	sbr.rel @p0 .LBB2_4-.Ltmp1, $4  }
0x2e: {  	[hbm4b:s17+s9] =	stream.strided.scatter [tilespmem:s2], [sflag:$0x1], $0x18700, s10, s9, $0x38;
	[tilespmem:$0x18780] =	vst v63  }
0x2f: {  	_ =	swait.ge [sflag:s11], $0x18700  }
0x30: {  	s15 =	sadd.s32 $0x4, s15;
	[sflag:s11] =	ssyncset.done $0x0  }
0x31: {  	s17 =	sand.u32 $0x40, s15;
	[sflag:s11] =	ssyncadd.s32 $0xFFFE7900  }
0x32: {  	_ =	sdelay $0x4  }
0x33: {  	s15 =	sshrl.u32 s17, $0x2;
	[tilespmem:v3+s2+$0x0] =	vst.idx.msk vm0, v0  }
0x34: {  	s16 =	sand.u32 $0xF, s14;
	v3 =	vld [tilespmem:s15+$0x18700]  }
0x35: {  	v4 =	vmov s16  }
0x36: {  	s31 =	sadd.s32 s14, s3;
	vm15 =	veq.s32 v4, v1  }
0x37: {  	s14 =	sshrl.u32 s31, $0x3  }
0x38: {  	s13 =	sadd.s32 $0x80, s13;
	s14 =	smul.u32 $0xC3800, s14  }
0x39: {  	s13 =	sand.u32 $0x380, s13  }
0x3a: {  	s13 =	sor.u32 s13, s14  }
0x3b: {  	s12 =	sadd.s32 $0x1, s12;
	s13 =	sshrl.u32 s13, $0x3  }
0x3c: {  	p0 =	sne.s32 s12, s6;
	s13 =	sadd.s32 s4, s13;
	[tilespmem:v3+s2+$0x0] =	vst.idx.msk vm15, v2  }
0x3d: {  	[hbm4b:s13+s9] =	stream.strided.scatter [tilespmem:s2], [sflag:$0x1], $0x18700, s10, s9, $0x38;
	[tilespmem:$0x18780] =	vst v63  }
.Ltmp2:
0x3e: {  	_ = 	snop;
	(pc) =	sbr.rel @p0 .LBB2_1-.Ltmp2, $4  }
0x3f: {  	_ =	swait.ge [sflag:s11], $0x18700  }
0x40: {  	[sflag:s11] =	ssyncset.done $0x0  }
0x41: {  	[sflag:s11] =	ssyncadd.s32 $0xFFFE7900  }
0x42: {  	[tilespmem:v3+s2+$0x0] =	vst.idx.msk vm15, v0  }
0x43: {  	_ =	sfence.sel $0x180000  }
0x44: {  	[bflag:$0x0] =	sbarrier.arrive $0xFFFF  }
0x45: {  	p0 =	sne.s32 s1, $0x0;
	_ =	strace $0x90000047  }
0x46: {  	s0 =	sadd.s32 @!p0 $0x100000, s0;
	[bflag:$0x2] =	sbarrier.arrive $0xFFFF  }
0x47: {  	[sflag:s0] =	ssyncadd.tile.s32 @!p0 $0x1;
	_ =	shalt  }
.Lfunc_end2:
_tile_overlayer_lowered:
.L_overlay_start_2:
0x48: {  	(tag) =	ssettag $0x2  }
0x49: {  	s0 =	rddreg [dreg:$0x0];
	s2 =	stileid.u32  }
0x4a: {  	s1 =	rddreg [dreg:$0x1];
	p0 =	sne.s32 s2, $0x0  }
0x4b: {  	s3 =	rddreg [dreg:$0x2];
	[bflag:$0x3] =	sbarrier.arrive $0xFFFF;
	s2 =	simm.s32 @!p0 $0x1C02  }
0x4c: {  	[timem:s3], [sflag:s2] =	dma.local @!p0 [hbm:s0], s1  }
0x4d: {  	s0 =	simm.s32 @!p0 $0x2  }
0x4e: {  	_ =	swait.ge @!p0 [sflag:s0], s1  }
0x4f: {  	s1 =	ssub.s32 @!p0 $0x0, s1;
	[sflag:s0] =	ssyncset.done @!p0 $0x0  }
0x50: {  	[sflag:s0] =	ssyncadd.s32 @!p0 s1  }
0x51: {  	[bflag:$0x3] =	sbarrier.arrive $0xFFFF  }
0x52: {  	_ =	shalt  }

</sc_bundles>
